<compile_context>
chip_gen: v7x
topology: tpu7x:2x2x1
jax: 0.10.2.dev20260603
libtpu: 0.0.44.dev20260713+nightly
codegen_flags: <defaults>
</compile_context>

<pallas_src>
import functools

import jax
import jax.numpy as jnp
from jax.experimental import pallas as pl
from jax.experimental.pallas import tpu as pltpu
from jax.experimental.pallas import tpu_sc as plsc

_K = 8192
_C = 32
_TILE_M = 2048
_CK = 8192
_NCHUNK = _K // _CK

_NCORES = 2
_NSUB = 16
_NW = _NCORES * _NSUB


def _vq_argmin_kernel(xt_ref, emb_ref, cs_ref, idx_ref, loss_ref, used_ref,
                      minval_scr, amin_scr):
    m = pl.program_id(0)
    k = pl.program_id(1)

    xt = xt_ref[...]
    iota = jax.lax.broadcasted_iota(jnp.int32, (_CK, _TILE_M), 0)

    @pl.when(jnp.logical_and(m == 0, k == 0))
    def _global_init():
        loss_ref[...] = jnp.zeros_like(loss_ref)
        used_ref[...] = (jnp.sum((cs_ref[...] > 1e-05).astype(jnp.float32))
                         / float(_K)).reshape(1, 1)

    embc = emb_ref[pl.ds(k * _CK, _CK), :]
    e2h = 0.5 * jnp.sum(embc * embc, axis=1, keepdims=True)
    xe = jax.lax.dot_general(embc, xt, (((1,), (0,)), ((), ())),
                             preferred_element_type=jnp.float32)
    s = e2h - xe
    mv = jnp.min(s, axis=0, keepdims=True)
    loc = jnp.min(jnp.where(s == mv, iota, _CK), axis=0,
                  keepdims=True) + k * _CK
    fresh = k == 0
    upd = jnp.logical_and(jnp.logical_not(fresh), mv < minval_scr[...])
    inf_row = jnp.full((1, _TILE_M), jnp.inf, jnp.float32)
    minval_scr[...] = jnp.where(
        fresh, jnp.minimum(mv, inf_row), jnp.where(upd, mv, minval_scr[...]))
    amin_scr[...] = jnp.where(
        fresh, loc, jnp.where(upd, loc, amin_scr[...]))

    @pl.when(k == _NCHUNK - 1)
    def _tile_done():
        idx_ref[0, 0, :] = amin_scr[0, :]
        x2 = jnp.sum(xt * xt, axis=0, keepdims=True)
        d2min = jnp.maximum(x2 + 2.0 * minval_scr[...], 0.0)
        loss_ref[...] += jnp.sum(d2min).reshape(1, 1)

        @pl.when(m == pl.num_programs(0) - 1)
        def _finalize():
            n_tok = jnp.float32(pl.num_programs(0)) * jnp.float32(_TILE_M)
            loss_ref[...] = loss_ref[...] / (n_tok * jnp.float32(_C))


def _tc_argmin(flat_xt, embedding, cs2d, n_tokens):
    n_m = n_tokens // _TILE_M
    return pl.pallas_call(
        _vq_argmin_kernel,
        grid=(n_m, _NCHUNK),
        in_specs=[
            pl.BlockSpec((_C, _TILE_M), lambda m, k: (0, m)),
            pl.BlockSpec((_K, _C), lambda m, k: (0, 0)),
            pl.BlockSpec((1, _K), lambda m, k: (0, 0)),
        ],
        out_specs=[
            pl.BlockSpec((1, 1, _TILE_M), lambda m, k: (m, 0, 0)),
            pl.BlockSpec((1, 1), lambda m, k: (0, 0)),
            pl.BlockSpec((1, 1), lambda m, k: (0, 0)),
        ],
        out_shape=[
            jax.ShapeDtypeStruct((n_m, 1, _TILE_M), jnp.int32),
            jax.ShapeDtypeStruct((1, 1), jnp.float32),
            jax.ShapeDtypeStruct((1, 1), jnp.float32),
        ],
        scratch_shapes=[
            pltpu.VMEM((1, _TILE_M), jnp.float32),
            pltpu.VMEM((1, _TILE_M), jnp.int32),
        ],
    )(flat_xt, embedding, cs2d)


_RPW = (_K // _NW) // 128


def _vq_sc_kernel(emb_hbm, idx_hbm, zeros_hbm, ones_hbm, q_hbm, counts_hbm,
                  idx_v, rows_v, ones_v, cshared, sem):
    c = jax.lax.axis_index("c")
    s = jax.lax.axis_index("s")
    wid = c * _NSUB + s

    pltpu.sync_copy(idx_hbm.at[pl.ds(wid * _RPW, _RPW)], idx_v)
    copies = [
        pltpu.async_copy(emb_hbm.at[idx_v.at[j]], rows_v.at[j], sem)
        for j in range(_RPW)
    ]

    @pl.when(s == 0)
    def _zero_counts():
        pltpu.sync_copy(zeros_hbm, cshared)

    pltpu.sync_copy(ones_hbm, ones_v)
    for copy in copies:
        copy.wait()
    pltpu.sync_copy(rows_v, q_hbm.at[pl.ds(wid * _RPW, _RPW)])

    plsc.subcore_barrier()
    for j in range(_RPW):
        pltpu.sync_copy(ones_v, cshared.at[idx_v.at[j]], add=True)
    plsc.subcore_barrier()

    @pl.when(s == 0)
    def _dump_counts():
        pltpu.sync_copy(cshared, counts_hbm.at[c])


@functools.partial(
    pl.kernel,
    mesh=plsc.VectorSubcoreMesh(core_axis_name="c", subcore_axis_name="s"),
    out_type=[
        jax.ShapeDtypeStruct((_K // 128, 128, 128), jnp.float32),
        jax.ShapeDtypeStruct((_NCORES, _K), jnp.float32),
    ],
    scratch_types=[
        pltpu.VMEM((_RPW, 128), jnp.int32),
        pltpu.VMEM((_RPW, 128, 128), jnp.float32),
        pltpu.VMEM((128,), jnp.float32),
        pltpu.VMEM_SHARED((_K,), jnp.float32),
        pltpu.SemaphoreType.DMA,
    ],
)
def _sc_gather_hist(emb_hbm, idx_hbm, zeros_hbm, ones_hbm, q_hbm, counts_hbm,
                    idx_v, rows_v, ones_v, cshared, sem):
    _vq_sc_kernel(emb_hbm, idx_hbm, zeros_hbm, ones_hbm, q_hbm, counts_hbm,
                  idx_v, rows_v, ones_v, cshared, sem)


def _perp_kernel(counts_ref, perp_ref):
    counts = counts_ref[0, :] + counts_ref[1, :]
    avg = counts / jnp.float32(_K)
    perp_ref[...] = jnp.exp(
        -jnp.sum(avg * jnp.log(avg + 1e-10))).reshape(1, 1)


def _tc_perplexity(counts2):
    return pl.pallas_call(
        _perp_kernel,
        out_shape=jax.ShapeDtypeStruct((1, 1), jnp.float32),
    )(counts2)


def kernel(z, embedding, cluster_size):
    B, C, D, H, W = z.shape
    K = embedding.shape[0]
    n_tokens = B * D * H * W

    flat_xt = jnp.transpose(z, (1, 0, 2, 3, 4)).reshape(C, n_tokens)
    cs2d = cluster_size.reshape(1, K)

    idx3, loss, used = _tc_argmin(flat_xt, embedding, cs2d, n_tokens)
    idx_rows = idx3.reshape(n_tokens // 128, 128)

    emb_pad = jnp.pad(embedding, ((0, 0), (0, 128 - C)))
    zeros = jnp.zeros((K,), jnp.float32)
    ones = jnp.ones((128,), jnp.float32)
    qpad, counts2 = _sc_gather_hist(emb_pad, idx_rows, zeros, ones)

    perp = _tc_perplexity(counts2)

    q = qpad.reshape(n_tokens, 128)[:, :C]
    quantized = q.reshape(B, D, H, W, C).transpose(0, 4, 1, 2, 3)
    encoding_indices = idx3.reshape(B, D, H, W)
    return (quantized, loss[0, 0], encoding_indices, perp[0, 0], used[0, 0])

# --- scband reference (transcript-rebuilt; emitter-appended) ---
"""Pipeline reference for scband-vector-quantizer-ema-12000138625223 (READ-ONLY COPY).

The authoritative reference and input builder live on the scoring server;
editing this copy changes nothing except your own understanding.
"""

import jax, jax.numpy as jnp
import numpy as np

NUM_EMBEDDINGS = 8192
EMBEDDING_DIM = 32


def setup_inputs(seed: int = 0) -> dict:
    key = jax.random.key(seed)
    k1, k2 = jax.random.split(key)
    z = jax.random.normal(k1, (2, 32, 8, 16, 32), dtype=jnp.float32)
    emb = jax.random.normal(k2, (NUM_EMBEDDINGS, EMBEDDING_DIM), dtype=jnp.float32)
    emb = emb / (jnp.linalg.norm(emb, axis=1, keepdims=True) + 1e-12)
    cluster_size = jnp.ones((NUM_EMBEDDINGS,), dtype=jnp.float32)
    return {"z": z, "embedding": emb, "cluster_size": cluster_size}


def reference(z, embedding, cluster_size):
    B, C, D, H, W = z.shape
    K = embedding.shape[0]
    flat_input = jnp.transpose(z, (0, 2, 3, 4, 1)).reshape(-1, C)
    # torch.cdist (euclidean) equivalent
    d2 = (jnp.sum(flat_input ** 2, axis=1, keepdims=True)
          - 2.0 * flat_input @ embedding.T
          + jnp.sum(embedding ** 2, axis=1)[None, :])
    distances = jnp.sqrt(jnp.maximum(d2, 0.0))
    encoding_indices = jnp.argmin(distances, axis=1)
    encodings = jax.nn.one_hot(encoding_indices, K, dtype=flat_input.dtype)
    quantized = encodings @ embedding
    quantized = quantized.reshape(B, D, H, W, C)
    quantized = jnp.transpose(quantized, (0, 4, 1, 2, 3))
    avg_probs = jnp.mean(encodings, axis=0)
    perplexity = jnp.exp(-jnp.sum(avg_probs * jnp.log(avg_probs + 1e-10)))
    used_codes = jnp.sum(cluster_size > 1e-05).astype(jnp.float32) / K
    quantized_st = z + jax.lax.stop_gradient(quantized - z)
    loss = jnp.mean((quantized_st - z) ** 2)
    encoding_indices = encoding_indices.reshape(B, D, H, W)
    return (quantized_st, loss, encoding_indices, perplexity, used_codes)

if __name__ == "__main__":
    import jax
    _d = setup_inputs()
    print(jax.jit(kernel)(*tuple(_d.values())))

</pallas_src>

<mosaic_0001>
#map = affine_map<(d0, d1) -> (0, 0)>
#map1 = affine_map<(d0, d1) -> (0)>
#map2 = affine_map<(d0, d1) -> (0, 0, 0)>
module attributes {stable_mosaic.version = 14 : i64} {
  func.func @_sc_gather_hist(%arg0: i32, %arg1: i32, %arg2: memref<8192x128xf32, #tpu.memory_space<hbm>>, %arg3: memref<64x128xi32, #tpu.memory_space<hbm>>, %arg4: memref<8192xf32, #tpu.memory_space<hbm>>, %arg5: memref<128xf32, #tpu.memory_space<hbm>>, %arg6: memref<64x128x128xf32, #tpu.memory_space<hbm>>, %arg7: memref<2x8192xf32, #tpu.memory_space<hbm>>, %arg8: memref<2x128xi32, #tpu.memory_space<vmem>>, %arg9: memref<2x128x128xf32, #tpu.memory_space<vmem>>, %arg10: memref<128xf32, #tpu.memory_space<vmem>>, %arg11: memref<8192xf32, #tpu.memory_space<vmem_shared>>, %arg12: memref<!tpu.dma_semaphore, #tpu.memory_space<semaphore_mem>>) attributes {dimension_semantics = [#tpu.dimension_semantics<core_parallel>, #tpu.dimension_semantics<subcore_parallel>], iteration_bounds = array<i64: 2, 16>, scalar_prefetch = 0 : i64, scratch_operands = 5 : i64, tpu.core_type = #tpu.core_type<sc_vector_subcore>, window_params = [{transform_indices = #map}, {transform_indices = #map}, {transform_indices = #map1}, {transform_indices = #map1}, {transform_indices = #map2}, {transform_indices = #map}]} {
    %mul3A = arith.constant 16 : i32
    %mul3A_0 = arith.muli %arg0, %mul3A : i32
    %add3A = arith.addi %mul3A_0, %arg1 : i32
    %mul3A_1 = arith.constant 2 : i32
    %mul3A_2 = arith.muli %add3A, %mul3A_1 : i32
    "tpu.region"() ({
      %run_scoped3A_60 = tpu.sem_alloc : memref<!tpu.dma_semaphore, #tpu.memory_space<semaphore_mem>>
      %dma_start3A_61 = arith.constant 0 : i32
      %dma_start3A_62 = tpu.memref_slice %arg3[%mul3A_2, %dma_start3A_61] : memref<64x128xi32, #tpu.memory_space<hbm>> -> memref<2x128xi32, #tpu.memory_space<hbm>>
      %dma_start3A_63 = arith.constant 0 : i32
      %dma_start3A_64 = tpu.memref_slice %arg3[%mul3A_2, %dma_start3A_63] : memref<64x128xi32, #tpu.memory_space<hbm>> -> memref<2x128xi32, #tpu.memory_space<hbm>>
      tpu.enqueue_dma source(%dma_start3A_64 : memref<2x128xi32, #tpu.memory_space<hbm>>) target(%arg8 : memref<2x128xi32, #tpu.memory_space<vmem>>) target_semaphore(%run_scoped3A_60 : memref<!tpu.dma_semaphore, #tpu.memory_space<semaphore_mem>>)
      %dma_wait3A_65 = arith.constant 0 : i32
      %dma_wait3A_66 = tpu.memref_slice %arg3[%mul3A_2, %dma_wait3A_65] : memref<64x128xi32, #tpu.memory_space<hbm>> -> memref<2x128xi32, #tpu.memory_space<hbm>>
      %dma_wait3A_67 = arith.constant 0 : i32
      %dma_wait3A_68 = tpu.memref_slice %arg3[%mul3A_2, %dma_wait3A_67] : memref<64x128xi32, #tpu.memory_space<hbm>> -> memref<2x128xi32, #tpu.memory_space<hbm>>
      tpu.wait_dma2 semaphore(%run_scoped3A_60 : memref<!tpu.dma_semaphore, #tpu.memory_space<semaphore_mem>>) src(%dma_wait3A_68 : memref<2x128xi32, #tpu.memory_space<hbm>>) dst(%arg8 : memref<2x128xi32, #tpu.memory_space<vmem>>)
      tpu.yield
    }) : () -> ()
    %dma_start3A = arith.constant 0 : i32
    %dma_start3A_3 = arith.constant 0 : i32
    %dma_start3A_4 = arith.constant 0 : i32
    %dma_start3A_5 = arith.constant 0 : i32
    %dma_start3A_6 = tpu.memref_slice %arg9[%dma_start3A_3, %dma_start3A_4, %dma_start3A_5] : memref<2x128x128xf32, #tpu.memory_space<vmem>> -> memref<1x128x128xf32, #tpu.memory_space<vmem>>
    %dma_start3A_7 = tpu.memref_squeeze %dma_start3A_6 : memref<1x128x128xf32, #tpu.memory_space<vmem>> -> memref<128x128xf32, #tpu.memory_space<vmem>>
    %dma_start3A_8 = arith.constant 0 : i32
    %dma_start3A_9 = tpu.memref_slice %arg8[%dma_start3A, %dma_start3A_8] : memref<2x128xi32, #tpu.memory_space<vmem>> -> memref<1x128xi32, #tpu.memory_space<vmem>>
    %dma_start3A_10 = tpu.memref_squeeze %dma_start3A_9 : memref<1x128xi32, #tpu.memory_space<vmem>> -> memref<128xi32, #tpu.memory_space<vmem>>
    %dma_start3A_11 = arith.constant 0 : i32
    %dma_start3A_12 = arith.constant 0 : i32
    %dma_start3A_13 = tpu.memref_slice %arg2[%dma_start3A_11, %dma_start3A_12] : memref<8192x128xf32, #tpu.memory_space<hbm>> -> memref<8192x128xf32, #tpu.memory_space<hbm>>
    tpu.enqueue_indirect_dma source(%dma_start3A_13 : memref<8192x128xf32, #tpu.memory_space<hbm>>) target(%dma_start3A_7 : memref<128x128xf32, #tpu.memory_space<vmem>>) offsets(%dma_start3A_10 : memref<128xi32, #tpu.memory_space<vmem>>) semaphore(%arg12 : memref<!tpu.dma_semaphore, #tpu.memory_space<semaphore_mem>>)
    %dma_start3A_14 = arith.constant 1 : i32
    %dma_start3A_15 = arith.constant 1 : i32
    %dma_start3A_16 = arith.constant 0 : i32
    %dma_start3A_17 = arith.constant 0 : i32
    %dma_start3A_18 = tpu.memref_slice %arg9[%dma_start3A_15, %dma_start3A_16, %dma_start3A_17] : memref<2x128x128xf32, #tpu.memory_space<vmem>> -> memref<1x128x128xf32, #tpu.memory_space<vmem>>
    %dma_start3A_19 = tpu.memref_squeeze %dma_start3A_18 : memref<1x128x128xf32, #tpu.memory_space<vmem>> -> memref<128x128xf32, #tpu.memory_space<vmem>>
    %dma_start3A_20 = arith.constant 0 : i32
    %dma_start3A_21 = tpu.memref_slice %arg8[%dma_start3A_14, %dma_start3A_20] : memref<2x128xi32, #tpu.memory_space<vmem>> -> memref<1x128xi32, #tpu.memory_space<vmem>>
    %dma_start3A_22 = tpu.memref_squeeze %dma_start3A_21 : memref<1x128xi32, #tpu.memory_space<vmem>> -> memref<128xi32, #tpu.memory_space<vmem>>
    %dma_start3A_23 = arith.constant 0 : i32
    %dma_start3A_24 = arith.constant 0 : i32
    %dma_start3A_25 = tpu.memref_slice %arg2[%dma_start3A_23, %dma_start3A_24] : memref<8192x128xf32, #tpu.memory_space<hbm>> -> memref<8192x128xf32, #tpu.memory_space<hbm>>
    tpu.enqueue_indirect_dma source(%dma_start3A_25 : memref<8192x128xf32, #tpu.memory_space<hbm>>) target(%dma_start3A_19 : memref<128x128xf32, #tpu.memory_space<vmem>>) offsets(%dma_start3A_22 : memref<128xi32, #tpu.memory_space<vmem>>) semaphore(%arg12 : memref<!tpu.dma_semaphore, #tpu.memory_space<semaphore_mem>>)
    %eq3A = arith.constant 0 : i32
    %eq3A_26 = arith.cmpi eq, %arg1, %eq3A : i32
    %convert_element_type3A = arith.extui %eq3A_26 : i1 to i32
    %cond3A = arith.constant 0 : i32
    %cond3A_27 = arith.cmpi ne, %convert_element_type3A, %cond3A : i32
    scf.if %cond3A_27 {
      "tpu.region"() ({
        %run_scoped3A_60 = tpu.sem_alloc : memref<!tpu.dma_semaphore, #tpu.memory_space<semaphore_mem>>
        tpu.enqueue_dma source(%arg4 : memref<8192xf32, #tpu.memory_space<hbm>>) target(%arg11 : memref<8192xf32, #tpu.memory_space<vmem_shared>>) target_semaphore(%run_scoped3A_60 : memref<!tpu.dma_semaphore, #tpu.memory_space<semaphore_mem>>)
        tpu.wait_dma2 semaphore(%run_scoped3A_60 : memref<!tpu.dma_semaphore, #tpu.memory_space<semaphore_mem>>) src(%arg4 : memref<8192xf32, #tpu.memory_space<hbm>>) dst(%arg11 : memref<8192xf32, #tpu.memory_space<vmem_shared>>)
        tpu.yield
      }) : () -> ()
    } else {
    }
    "tpu.region"() ({
      %run_scoped3A_60 = tpu.sem_alloc : memref<!tpu.dma_semaphore, #tpu.memory_space<semaphore_mem>>
      tpu.enqueue_dma source(%arg5 : memref<128xf32, #tpu.memory_space<hbm>>) target(%arg10 : memref<128xf32, #tpu.memory_space<vmem>>) target_semaphore(%run_scoped3A_60 : memref<!tpu.dma_semaphore, #tpu.memory_space<semaphore_mem>>)
      tpu.wait_dma2 semaphore(%run_scoped3A_60 : memref<!tpu.dma_semaphore, #tpu.memory_space<semaphore_mem>>) src(%arg5 : memref<128xf32, #tpu.memory_space<hbm>>) dst(%arg10 : memref<128xf32, #tpu.memory_space<vmem>>)
      tpu.yield
    }) : () -> ()
    %dma_wait3A = arith.constant 0 : i32
    %dma_wait3A_28 = arith.constant 0 : i32
    %dma_wait3A_29 = arith.constant 0 : i32
    %dma_wait3A_30 = arith.constant 0 : i32
    %dma_wait3A_31 = tpu.memref_slice %arg9[%dma_wait3A_28, %dma_wait3A_29, %dma_wait3A_30] : memref<2x128x128xf32, #tpu.memory_space<vmem>> -> memref<1x128x128xf32, #tpu.memory_space<vmem>>
    %dma_wait3A_32 = tpu.memref_squeeze %dma_wait3A_31 : memref<1x128x128xf32, #tpu.memory_space<vmem>> -> memref<128x128xf32, #tpu.memory_space<vmem>>
    %dma_wait3A_33 = arith.constant 0 : i32
    %dma_wait3A_34 = tpu.memref_slice %arg8[%dma_wait3A, %dma_wait3A_33] : memref<2x128xi32, #tpu.memory_space<vmem>> -> memref<1x128xi32, #tpu.memory_space<vmem>>
    %dma_wait3A_35 = tpu.memref_squeeze %dma_wait3A_34 : memref<1x128xi32, #tpu.memory_space<vmem>> -> memref<128xi32, #tpu.memory_space<vmem>>
    %dma_wait3A_36 = arith.constant 0 : i32
    %dma_wait3A_37 = arith.constant 0 : i32
    %dma_wait3A_38 = tpu.memref_slice %arg2[%dma_wait3A_36, %dma_wait3A_37] : memref<8192x128xf32, #tpu.memory_space<hbm>> -> memref<8192x128xf32, #tpu.memory_space<hbm>>
    tpu.wait_indirect_dma semaphore(%arg12 : memref<!tpu.dma_semaphore, #tpu.memory_space<semaphore_mem>>) src(%dma_wait3A_38 : memref<8192x128xf32, #tpu.memory_space<hbm>>) dst(%dma_wait3A_32 : memref<128x128xf32, #tpu.memory_space<vmem>>)
    %dma_wait3A_39 = arith.constant 1 : i32
    %dma_wait3A_40 = arith.constant 1 : i32
    %dma_wait3A_41 = arith.constant 0 : i32
    %dma_wait3A_42 = arith.constant 0 : i32
    %dma_wait3A_43 = tpu.memref_slice %arg9[%dma_wait3A_40, %dma_wait3A_41, %dma_wait3A_42] : memref<2x128x128xf32, #tpu.memory_space<vmem>> -> memref<1x128x128xf32, #tpu.memory_space<vmem>>
    %dma_wait3A_44 = tpu.memref_squeeze %dma_wait3A_43 : memref<1x128x128xf32, #tpu.memory_space<vmem>> -> memref<128x128xf32, #tpu.memory_space<vmem>>
    %dma_wait3A_45 = arith.constant 0 : i32
    %dma_wait3A_46 = tpu.memref_slice %arg8[%dma_wait3A_39, %dma_wait3A_45] : memref<2x128xi32, #tpu.memory_space<vmem>> -> memref<1x128xi32, #tpu.memory_space<vmem>>
    %dma_wait3A_47 = tpu.memref_squeeze %dma_wait3A_46 : memref<1x128xi32, #tpu.memory_space<vmem>> -> memref<128xi32, #tpu.memory_space<vmem>>
    %dma_wait3A_48 = arith.constant 0 : i32
    %dma_wait3A_49 = arith.constant 0 : i32
    %dma_wait3A_50 = tpu.memref_slice %arg2[%dma_wait3A_48, %dma_wait3A_49] : memref<8192x128xf32, #tpu.memory_space<hbm>> -> memref<8192x128xf32, #tpu.memory_space<hbm>>
    tpu.wait_indirect_dma semaphore(%arg12 : memref<!tpu.dma_semaphore, #tpu.memory_space<semaphore_mem>>) src(%dma_wait3A_50 : memref<8192x128xf32, #tpu.memory_space<hbm>>) dst(%dma_wait3A_44 : memref<128x128xf32, #tpu.memory_space<vmem>>)
    %mul3A_51 = arith.constant 2 : i32
    %mul3A_52 = arith.muli %add3A, %mul3A_51 : i32
    "tpu.region"() ({
      %run_scoped3A_60 = tpu.sem_alloc : memref<!tpu.dma_semaphore, #tpu.memory_space<semaphore_mem>>
      %dma_start3A_61 = arith.constant 0 : i32
      %dma_start3A_62 = arith.constant 0 : i32
      %dma_start3A_63 = tpu.memref_slice %arg6[%mul3A_52, %dma_start3A_61, %dma_start3A_62] : memref<64x128x128xf32, #tpu.memory_space<hbm>> -> memref<2x128x128xf32, #tpu.memory_space<hbm>>
      %dma_start3A_64 = arith.constant 0 : i32
      %dma_start3A_65 = arith.constant 0 : i32
      %dma_start3A_66 = tpu.memref_slice %arg6[%mul3A_52, %dma_start3A_64, %dma_start3A_65] : memref<64x128x128xf32, #tpu.memory_space<hbm>> -> memref<2x128x128xf32, #tpu.memory_space<hbm>>
      tpu.enqueue_dma source(%arg9 : memref<2x128x128xf32, #tpu.memory_space<vmem>>) target(%dma_start3A_66 : memref<2x128x128xf32, #tpu.memory_space<hbm>>) target_semaphore(%run_scoped3A_60 : memref<!tpu.dma_semaphore, #tpu.memory_space<semaphore_mem>>)
      %dma_wait3A_67 = arith.constant 0 : i32
      %dma_wait3A_68 = arith.constant 0 : i32
      %dma_wait3A_69 = tpu.memref_slice %arg6[%mul3A_52, %dma_wait3A_67, %dma_wait3A_68] : memref<64x128x128xf32, #tpu.memory_space<hbm>> -> memref<2x128x128xf32, #tpu.memory_space<hbm>>
      %dma_wait3A_70 = arith.constant 0 : i32
      %dma_wait3A_71 = arith.constant 0 : i32
      %dma_wait3A_72 = tpu.memref_slice %arg6[%mul3A_52, %dma_wait3A_70, %dma_wait3A_71] : memref<64x128x128xf32, #tpu.memory_space<hbm>> -> memref<2x128x128xf32, #tpu.memory_space<hbm>>
      tpu.wait_dma2 semaphore(%run_scoped3A_60 : memref<!tpu.dma_semaphore, #tpu.memory_space<semaphore_mem>>) src(%arg9 : memref<2x128x128xf32, #tpu.memory_space<vmem>>) dst(%dma_wait3A_72 : memref<2x128x128xf32, #tpu.memory_space<hbm>>)
      tpu.yield
    }) : () -> ()
    %barrier3A = arith.constant 0 : index
    tpu.barrier barrier_id(%barrier3A)
    %run_scoped3A = arith.constant 0 : i32
    "tpu.region"() ({
      %run_scoped3A_60 = tpu.sem_alloc : memref<!tpu.dma_semaphore, #tpu.memory_space<semaphore_mem>>
      %dma_start3A_61 = arith.constant 0 : i32
      %dma_start3A_62 = tpu.memref_slice %arg8[%run_scoped3A, %dma_start3A_61] : memref<2x128xi32, #tpu.memory_space<vmem>> -> memref<1x128xi32, #tpu.memory_space<vmem>>
      %dma_start3A_63 = tpu.memref_squeeze %dma_start3A_62 : memref<1x128xi32, #tpu.memory_space<vmem>> -> memref<128xi32, #tpu.memory_space<vmem>>
      %dma_start3A_64 = arith.constant 0 : i32
      %dma_start3A_65 = tpu.memref_slice %arg11[%dma_start3A_64] : memref<8192xf32, #tpu.memory_space<vmem_shared>> -> memref<8192xf32, #tpu.memory_space<vmem_shared>>
      tpu.enqueue_indirect_dma source(%arg10 : memref<128xf32, #tpu.memory_space<vmem>>) target(%dma_start3A_65 : memref<8192xf32, #tpu.memory_space<vmem_shared>>) offsets(%dma_start3A_63 : memref<128xi32, #tpu.memory_space<vmem>>) semaphore(%run_scoped3A_60 : memref<!tpu.dma_semaphore, #tpu.memory_space<semaphore_mem>>) {add = true}
      %dma_wait3A_66 = arith.constant 0 : i32
      %dma_wait3A_67 = tpu.memref_slice %arg8[%run_scoped3A, %dma_wait3A_66] : memref<2x128xi32, #tpu.memory_space<vmem>> -> memref<1x128xi32, #tpu.memory_space<vmem>>
      %dma_wait3A_68 = tpu.memref_squeeze %dma_wait3A_67 : memref<1x128xi32, #tpu.memory_space<vmem>> -> memref<128xi32, #tpu.memory_space<vmem>>
      %dma_wait3A_69 = arith.constant 0 : i32
      %dma_wait3A_70 = tpu.memref_slice %arg11[%dma_wait3A_69] : memref<8192xf32, #tpu.memory_space<vmem_shared>> -> memref<8192xf32, #tpu.memory_space<vmem_shared>>
      tpu.wait_indirect_dma semaphore(%run_scoped3A_60 : memref<!tpu.dma_semaphore, #tpu.memory_space<semaphore_mem>>) src(%arg10 : memref<128xf32, #tpu.memory_space<vmem>>) dst(%dma_wait3A_70 : memref<8192xf32, #tpu.memory_space<vmem_shared>>)
      tpu.yield
    }) : () -> ()
    %run_scoped3A_53 = arith.constant 1 : i32
    "tpu.region"() ({
      %run_scoped3A_60 = tpu.sem_alloc : memref<!tpu.dma_semaphore, #tpu.memory_space<semaphore_mem>>
      %dma_start3A_61 = arith.constant 0 : i32
      %dma_start3A_62 = tpu.memref_slice %arg8[%run_scoped3A_53, %dma_start3A_61] : memref<2x128xi32, #tpu.memory_space<vmem>> -> memref<1x128xi32, #tpu.memory_space<vmem>>
      %dma_start3A_63 = tpu.memref_squeeze %dma_start3A_62 : memref<1x128xi32, #tpu.memory_space<vmem>> -> memref<128xi32, #tpu.memory_space<vmem>>
      %dma_start3A_64 = arith.constant 0 : i32
      %dma_start3A_65 = tpu.memref_slice %arg11[%dma_start3A_64] : memref<8192xf32, #tpu.memory_space<vmem_shared>> -> memref<8192xf32, #tpu.memory_space<vmem_shared>>
      tpu.enqueue_indirect_dma source(%arg10 : memref<128xf32, #tpu.memory_space<vmem>>) target(%dma_start3A_65 : memref<8192xf32, #tpu.memory_space<vmem_shared>>) offsets(%dma_start3A_63 : memref<128xi32, #tpu.memory_space<vmem>>) semaphore(%run_scoped3A_60 : memref<!tpu.dma_semaphore, #tpu.memory_space<semaphore_mem>>) {add = true}
      %dma_wait3A_66 = arith.constant 0 : i32
      %dma_wait3A_67 = tpu.memref_slice %arg8[%run_scoped3A_53, %dma_wait3A_66] : memref<2x128xi32, #tpu.memory_space<vmem>> -> memref<1x128xi32, #tpu.memory_space<vmem>>
      %dma_wait3A_68 = tpu.memref_squeeze %dma_wait3A_67 : memref<1x128xi32, #tpu.memory_space<vmem>> -> memref<128xi32, #tpu.memory_space<vmem>>
      %dma_wait3A_69 = arith.constant 0 : i32
      %dma_wait3A_70 = tpu.memref_slice %arg11[%dma_wait3A_69] : memref<8192xf32, #tpu.memory_space<vmem_shared>> -> memref<8192xf32, #tpu.memory_space<vmem_shared>>
      tpu.wait_indirect_dma semaphore(%run_scoped3A_60 : memref<!tpu.dma_semaphore, #tpu.memory_space<semaphore_mem>>) src(%arg10 : memref<128xf32, #tpu.memory_space<vmem>>) dst(%dma_wait3A_70 : memref<8192xf32, #tpu.memory_space<vmem_shared>>)
      tpu.yield
    }) : () -> ()
    %barrier3A_54 = arith.constant 0 : index
    tpu.barrier barrier_id(%barrier3A_54)
    %eq3A_55 = arith.constant 0 : i32
    %eq3A_56 = arith.cmpi eq, %arg1, %eq3A_55 : i32
    %convert_element_type3A_57 = arith.extui %eq3A_56 : i1 to i32
    %cond3A_58 = arith.constant 0 : i32
    %cond3A_59 = arith.cmpi ne, %convert_element_type3A_57, %cond3A_58 : i32
    scf.if %cond3A_59 {
      "tpu.region"() ({
        %run_scoped3A_60 = tpu.sem_alloc : memref<!tpu.dma_semaphore, #tpu.memory_space<semaphore_mem>>
        %dma_start3A_61 = arith.constant 0 : i32
        %dma_start3A_62 = tpu.memref_slice %arg7[%arg0, %dma_start3A_61] : memref<2x8192xf32, #tpu.memory_space<hbm>> -> memref<1x8192xf32, #tpu.memory_space<hbm>>
        %dma_start3A_63 = tpu.memref_squeeze %dma_start3A_62 : memref<1x8192xf32, #tpu.memory_space<hbm>> -> memref<8192xf32, #tpu.memory_space<hbm>>
        tpu.enqueue_dma source(%arg11 : memref<8192xf32, #tpu.memory_space<vmem_shared>>) target(%dma_start3A_63 : memref<8192xf32, #tpu.memory_space<hbm>>) target_semaphore(%run_scoped3A_60 : memref<!tpu.dma_semaphore, #tpu.memory_space<semaphore_mem>>)
        %dma_wait3A_64 = arith.constant 0 : i32
        %dma_wait3A_65 = tpu.memref_slice %arg7[%arg0, %dma_wait3A_64] : memref<2x8192xf32, #tpu.memory_space<hbm>> -> memref<1x8192xf32, #tpu.memory_space<hbm>>
        %dma_wait3A_66 = tpu.memref_squeeze %dma_wait3A_65 : memref<1x8192xf32, #tpu.memory_space<hbm>> -> memref<8192xf32, #tpu.memory_space<hbm>>
        tpu.wait_dma2 semaphore(%run_scoped3A_60 : memref<!tpu.dma_semaphore, #tpu.memory_space<semaphore_mem>>) src(%arg11 : memref<8192xf32, #tpu.memory_space<vmem_shared>>) dst(%dma_wait3A_66 : memref<8192xf32, #tpu.memory_space<hbm>>)
        tpu.yield
      }) : () -> ()
    } else {
    }
    return
  }
}

module attributes {stable_mosaic.version = 14 : i64} {
  func.func @_vq_argmin_kernel(%arg0: i32, %arg1: i32, %arg2: memref<32x2048xf32, #tpu.memory_space<vmem>>, %arg3: memref<8192x32xf32, #tpu.memory_space<vmem>>, %arg4: memref<1x8192xf32, #tpu.memory_space<vmem>>, %arg5: memref<1x1x2048xi32, #tpu.memory_space<vmem>>, %arg6: memref<1x1xf32, #tpu.memory_space<vmem>>, %arg7: memref<1x1xf32, #tpu.memory_space<vmem>>, %arg8: memref<1x2048xf32, #tpu.memory_space<vmem>>, %arg9: memref<1x2048xi32, #tpu.memory_space<vmem>>) attributes {dimension_semantics = [#tpu.dimension_semantics<arbitrary>, #tpu.dimension_semantics<arbitrary>], iteration_bounds = array<i64: 4, 1>, scalar_prefetch = 0 : i64, scratch_operands = 2 : i64, tpu.core_type = #tpu.core_type<tc>, window_params = [{transform_indices = @transform_0, window_bounds = array<i64: 32, 2048>}, {pipeline_mode = #tpu.pipeline_mode<synchronous>, transform_indices = @transform_1, window_bounds = array<i64: 8192, 32>}, {pipeline_mode = #tpu.pipeline_mode<synchronous>, transform_indices = @transform_2, window_bounds = array<i64: 1, 8192>}, {transform_indices = @transform_3, window_bounds = array<i64: 1, 1, 2048>}, {pipeline_mode = #tpu.pipeline_mode<synchronous>, transform_indices = @transform_4, window_bounds = array<i64: 1, 1>}, {pipeline_mode = #tpu.pipeline_mode<synchronous>, transform_indices = @transform_5, window_bounds = array<i64: 1, 1>}]} {
    %get3A = arith.constant 0 : index
    %get3A_0 = arith.constant 0 : index
    %get3A_1 = vector.load %arg2[%get3A, %get3A_0] : memref<32x2048xf32, #tpu.memory_space<vmem>>, vector<32x2048xf32>
    %iota3A = tpu.iota {dimensions = array<i32: 0>} : vector<8192x2048xi32>
    %eq3A = arith.constant 0 : i32
    %eq3A_2 = arith.cmpi eq, %arg0, %eq3A : i32
    %eq3A_3 = arith.constant 0 : i32
    %eq3A_4 = arith.cmpi eq, %arg1, %eq3A_3 : i32
    %and3A = arith.andi %eq3A_2, %eq3A_4 : i1
    %convert_element_type3A = arith.extui %and3A : i1 to i32
    %cond3A = arith.constant 0 : i32
    %cond3A_5 = arith.cmpi ne, %convert_element_type3A, %cond3A : i32
    scf.if %cond3A_5 {
      %broadcast_in_dim3A_58 = arith.constant 0.000000e+00 : f32
      %broadcast_in_dim3A_59 = vector.broadcast %broadcast_in_dim3A_58 : f32 to vector<1x1xf32>
      %swap3A_60 = arith.constant 0 : index
      %swap3A_61 = arith.constant 0 : index
      %swap3A_62 = vector.load %arg6[%swap3A_60, %swap3A_61] : memref<1x1xf32, #tpu.memory_space<vmem>>, vector<1x1xf32>
      tpu.vector_store %arg6[%swap3A_60, %swap3A_61], %broadcast_in_dim3A_59 {strides = array<i32>} : memref<1x1xf32, #tpu.memory_space<vmem>>, vector<1x1xf32>,
      %get3A_63 = arith.constant 0 : index
      %get3A_64 = arith.constant 0 : index
      %get3A_65 = vector.load %arg4[%get3A_63, %get3A_64] : memref<1x8192xf32, #tpu.memory_space<vmem>>, vector<1x8192xf32>
      %gt3A = arith.constant 9.99999974E-6 : f32
      %gt3A_66 = vector.broadcast %gt3A : f32 to vector<1x8192xf32>
      %gt3A_67 = arith.cmpf ogt, %get3A_65, %gt3A_66 : vector<1x8192xf32>
      %convert_element_type3A_68 = arith.extui %gt3A_67 : vector<1x8192xi1> to vector<1x8192xi32>
      %convert_element_type3A_69 = arith.sitofp %convert_element_type3A_68 : vector<1x8192xi32> to vector<1x8192xf32>
      %reduce_sum3A_70 = vector.shape_cast %convert_element_type3A_69 : vector<1x8192xf32> to vector<1x1x8192xf32>
      %reduce_sum3A_71 = arith.constant dense<0.000000e+00> : vector<1xf32>
      %reduce_sum3A_72 = vector.multi_reduction <add>, %reduce_sum3A_70, %reduce_sum3A_71 [1, 2] : vector<1x1x8192xf32> to vector<1xf32>
      %reduce_sum3A_73 = vector.shape_cast %reduce_sum3A_72 : vector<1xf32> to vector<1x1x1xf32>
      %reduce_sum3A_74 = vector.extract %reduce_sum3A_73[0, 0, 0] : f32 from vector<1x1x1xf32>
      %div3A = arith.constant 8.192000e+03 : f32
      %div3A_75 = arith.divf %reduce_sum3A_74, %div3A : f32
      %reshape3A = vector.broadcast %div3A_75 : f32 to vector<1x1xf32>
      %swap3A_76 = arith.constant 0 : index
      %swap3A_77 = arith.constant 0 : index
      %swap3A_78 = vector.load %arg7[%swap3A_76, %swap3A_77] : memref<1x1xf32, #tpu.memory_space<vmem>>, vector<1x1xf32>
      tpu.vector_store %arg7[%swap3A_76, %swap3A_77], %reshape3A {strides = array<i32>} : memref<1x1xf32, #tpu.memory_space<vmem>>, vector<1x1xf32>,
    } else {
    }
    %mul3A = arith.constant 8192 : i32
    %mul3A_6 = arith.muli %arg1, %mul3A : i32
    %get3A_7 = arith.index_cast %mul3A_6 : i32 to index
    %get3A_8 = arith.constant 0 : index
    %get3A_9 = vector.load %arg3[%get3A_7, %get3A_8] : memref<8192x32xf32, #tpu.memory_space<vmem>>, vector<8192x32xf32>
    %mul3A_10 = arith.mulf %get3A_9, %get3A_9 : vector<8192x32xf32>
    %reduce_sum3A = arith.constant dense<0.000000e+00> : vector<8192xf32>
    %reduce_sum3A_11 = vector.multi_reduction <add>, %mul3A_10, %reduce_sum3A [1] : vector<8192x32xf32> to vector<8192xf32>
    %broadcast_in_dim3A = vector.shape_cast %reduce_sum3A_11 : vector<8192xf32> to vector<8192x1xf32>
    %mul3A_12 = arith.constant 5.000000e-01 : f32
    %mul3A_13 = vector.broadcast %mul3A_12 : f32 to vector<8192x1xf32>
    %mul3A_14 = arith.mulf %mul3A_13, %broadcast_in_dim3A : vector<8192x1xf32>
    %dot_general3A = arith.constant dense<0.000000e+00> : vector<8192x2048xf32>
    %dot_general3A_15 = tpu.matmul %get3A_9, %get3A_1, %dot_general3A {dimension_numbers = #tpu.dot_dimension_numbers<[1], [0], [0], [1], [0, 0, 1, 1], [], []>, transpose_lhs_hint = false} : vector<8192x32xf32>, vector<32x2048xf32>, vector<8192x2048xf32> -> vector<8192x2048xf32>
    %sub3A = vector.broadcast %mul3A_14 : vector<8192x1xf32> to vector<8192x2048xf32>
    %sub3A_16 = arith.subf %sub3A, %dot_general3A_15 : vector<8192x2048xf32>
    %reduce_min3A = arith.constant dense<0x7F800000> : vector<2048xf32>
    %reduce_min3A_17 = vector.multi_reduction <minimumf>, %sub3A_16, %reduce_min3A [0] : vector<8192x2048xf32> to vector<2048xf32>
    %broadcast_in_dim3A_18 = vector.shape_cast %reduce_min3A_17 : vector<2048xf32> to vector<1x2048xf32>
    %eq3A_19 = vector.broadcast %broadcast_in_dim3A_18 : vector<1x2048xf32> to vector<8192x2048xf32>
    %eq3A_20 = arith.cmpf oeq, %sub3A_16, %eq3A_19 : vector<8192x2048xf32>
    %jit3A = arith.constant 8192 : i32
    %broadcast_in_dim3A_21 = vector.broadcast %jit3A : i32 to vector<8192x2048xi32>
    %select_n3A = arith.select %eq3A_20, %iota3A, %broadcast_in_dim3A_21 : vector<8192x2048xi1>, vector<8192x2048xi32>
    %reduce_min3A_22 = arith.constant dense<2147483647> : vector<2048xi32>
    %reduce_min3A_23 = vector.multi_reduction <minsi>, %select_n3A, %reduce_min3A_22 [0] : vector<8192x2048xi32> to vector<2048xi32>
    %broadcast_in_dim3A_24 = vector.shape_cast %reduce_min3A_23 : vector<2048xi32> to vector<1x2048xi32>
    %mul3A_25 = arith.constant 8192 : i32
    %mul3A_26 = arith.muli %arg1, %mul3A_25 : i32
    %add3A = vector.broadcast %mul3A_26 : i32 to vector<1x2048xi32>
    %add3A_27 = arith.addi %broadcast_in_dim3A_24, %add3A : vector<1x2048xi32>
    %eq3A_28 = arith.constant 0 : i32
    %eq3A_29 = arith.cmpi eq, %arg1, %eq3A_28 : i32
    %not3A = arith.constant true
    %not3A_30 = arith.xori %eq3A_29, %not3A : i1
    %get3A_31 = arith.constant 0 : index
    %get3A_32 = arith.constant 0 : index
    %get3A_33 = vector.load %arg8[%get3A_31, %get3A_32] : memref<1x2048xf32, #tpu.memory_space<vmem>>, vector<1x2048xf32>
    %lt3A = arith.cmpf olt, %broadcast_in_dim3A_18, %get3A_33 : vector<1x2048xf32>
    %and3A_34 = vector.broadcast %not3A_30 : i1 to vector<1x2048xi1>
    %and3A_35 = arith.andi %and3A_34, %lt3A : vector<1x2048xi1>
    %broadcast_in_dim3A_36 = arith.constant 0x7F800000 : f32
    %broadcast_in_dim3A_37 = vector.broadcast %broadcast_in_dim3A_36 : f32 to vector<1x2048xf32>
    %min3A = arith.minimumf %broadcast_in_dim3A_18, %broadcast_in_dim3A_37 : vector<1x2048xf32>
    %get3A_38 = arith.constant 0 : index
    %get3A_39 = arith.constant 0 : index
    %get3A_40 = vector.load %arg8[%get3A_38, %get3A_39] : memref<1x2048xf32, #tpu.memory_space<vmem>>, vector<1x2048xf32>
    %select_n3A_41 = arith.select %and3A_35, %broadcast_in_dim3A_18, %get3A_40 : vector<1x2048xi1>, vector<1x2048xf32>
    %select_n3A_42 = arith.select %eq3A_29, %min3A, %select_n3A_41 : vector<1x2048xf32>
    %swap3A = arith.constant 0 : index
    %swap3A_43 = arith.constant 0 : index
    %swap3A_44 = vector.load %arg8[%swap3A, %swap3A_43] : memref<1x2048xf32, #tpu.memory_space<vmem>>, vector<1x2048xf32>
    tpu.vector_store %arg8[%swap3A, %swap3A_43], %select_n3A_42 {strides = array<i32>} : memref<1x2048xf32, #tpu.memory_space<vmem>>, vector<1x2048xf32>,
    %get3A_45 = arith.constant 0 : index
    %get3A_46 = arith.constant 0 : index
    %get3A_47 = vector.load %arg9[%get3A_45, %get3A_46] : memref<1x2048xi32, #tpu.memory_space<vmem>>, vector<1x2048xi32>
    %select_n3A_48 = arith.select %and3A_35, %add3A_27, %get3A_47 : vector<1x2048xi1>, vector<1x2048xi32>
    %select_n3A_49 = arith.select %eq3A_29, %add3A_27, %select_n3A_48 : vector<1x2048xi32>
    %swap3A_50 = arith.constant 0 : index
    %swap3A_51 = arith.constant 0 : index
    %swap3A_52 = vector.load %arg9[%swap3A_50, %swap3A_51] : memref<1x2048xi32, #tpu.memory_space<vmem>>, vector<1x2048xi32>
    tpu.vector_store %arg9[%swap3A_50, %swap3A_51], %select_n3A_49 {strides = array<i32>} : memref<1x2048xi32, #tpu.memory_space<vmem>>, vector<1x2048xi32>,
    %eq3A_53 = arith.constant 0 : i32
    %eq3A_54 = arith.cmpi eq, %arg1, %eq3A_53 : i32
    %convert_element_type3A_55 = arith.extui %eq3A_54 : i1 to i32
    %cond3A_56 = arith.constant 0 : i32
    %cond3A_57 = arith.cmpi ne, %convert_element_type3A_55, %cond3A_56 : i32
    scf.if %cond3A_57 {
      %get3A_58 = arith.constant 0 : index
      %get3A_59 = arith.constant 0 : index
      %get3A_60 = vector.load %arg9[%get3A_58, %get3A_59] : memref<1x2048xi32, #tpu.memory_space<vmem>>, vector<1x2048xi32>
      %get3A_61 = vector.shape_cast %get3A_60 : vector<1x2048xi32> to vector<2048xi32>
      %swap3A_62 = arith.constant 0 : index
      %swap3A_63 = arith.constant 0 : index
      %swap3A_64 = arith.constant 0 : index
      %swap3A_65 = vector.load %arg5[%swap3A_62, %swap3A_63, %swap3A_64] : memref<1x1x2048xi32, #tpu.memory_space<vmem>>, vector<1x1x2048xi32>
      %swap3A_66 = vector.shape_cast %swap3A_65 : vector<1x1x2048xi32> to vector<2048xi32>
      %swap3A_67 = vector.shape_cast %get3A_61 : vector<2048xi32> to vector<1x1x2048xi32>
      tpu.vector_store %arg5[%swap3A_62, %swap3A_63, %swap3A_64], %swap3A_67 {strides = array<i32>} : memref<1x1x2048xi32, #tpu.memory_space<vmem>>, vector<1x1x2048xi32>,
      %mul3A_68 = arith.mulf %get3A_1, %get3A_1 : vector<32x2048xf32>
      %reduce_sum3A_69 = arith.constant dense<0.000000e+00> : vector<2048xf32>
      %reduce_sum3A_70 = vector.multi_reduction <add>, %mul3A_68, %reduce_sum3A_69 [0] : vector<32x2048xf32> to vector<2048xf32>
      %broadcast_in_dim3A_71 = vector.shape_cast %reduce_sum3A_70 : vector<2048xf32> to vector<1x2048xf32>
      %get3A_72 = arith.constant 0 : index
      %get3A_73 = arith.constant 0 : index
      %get3A_74 = vector.load %arg8[%get3A_72, %get3A_73] : memref<1x2048xf32, #tpu.memory_space<vmem>>, vector<1x2048xf32>
      %mul3A_75 = arith.constant 2.000000e+00 : f32
      %mul3A_76 = vector.broadcast %mul3A_75 : f32 to vector<1x2048xf32>
      %mul3A_77 = arith.mulf %mul3A_76, %get3A_74 : vector<1x2048xf32>
      %add3A_78 = arith.addf %broadcast_in_dim3A_71, %mul3A_77 : vector<1x2048xf32>
      %max3A = arith.constant 0.000000e+00 : f32
      %max3A_79 = vector.broadcast %max3A : f32 to vector<1x2048xf32>
      %max3A_80 = arith.maximumf %add3A_78, %max3A_79 : vector<1x2048xf32>
      %get3A_81 = arith.constant 0 : index
      %get3A_82 = arith.constant 0 : index
      %get3A_83 = vector.load %arg6[%get3A_81, %get3A_82] : memref<1x1xf32, #tpu.memory_space<vmem>>, vector<1x1xf32>
      %reduce_sum3A_84 = vector.shape_cast %max3A_80 : vector<1x2048xf32> to vector<1x1x2048xf32>
      %reduce_sum3A_85 = arith.constant dense<0.000000e+00> : vector<1xf32>
      %reduce_sum3A_86 = vector.multi_reduction <add>, %reduce_sum3A_84, %reduce_sum3A_85 [1, 2] : vector<1x1x2048xf32> to vector<1xf32>
      %reduce_sum3A_87 = vector.shape_cast %reduce_sum3A_86 : vector<1xf32> to vector<1x1x1xf32>
      %reduce_sum3A_88 = vector.extract %reduce_sum3A_87[0, 0, 0] : f32 from vector<1x1x1xf32>
      %reshape3A = vector.broadcast %reduce_sum3A_88 : f32 to vector<1x1xf32>
      %add3A_89 = arith.addf %get3A_83, %reshape3A : vector<1x1xf32>
      %swap3A_90 = arith.constant 0 : index
      %swap3A_91 = arith.constant 0 : index
      %swap3A_92 = vector.load %arg6[%swap3A_90, %swap3A_91] : memref<1x1xf32, #tpu.memory_space<vmem>>, vector<1x1xf32>
      tpu.vector_store %arg6[%swap3A_90, %swap3A_91], %add3A_89 {strides = array<i32>} : memref<1x1xf32, #tpu.memory_space<vmem>>, vector<1x1xf32>,
      %eq3A_93 = arith.constant 3 : i32
      %eq3A_94 = arith.cmpi eq, %arg0, %eq3A_93 : i32
      %convert_element_type3A_95 = arith.extui %eq3A_94 : i1 to i32
      %cond3A_96 = arith.constant 0 : i32
      %cond3A_97 = arith.cmpi ne, %convert_element_type3A_95, %cond3A_96 : i32
      scf.if %cond3A_97 {
        %mul3A_98 = arith.constant 4.000000e+00 : f32
        %mul3A_99 = arith.constant 2.048000e+03 : f32
        %mul3A_100 = arith.mulf %mul3A_98, %mul3A_99 : f32
        %get3A_101 = arith.constant 0 : index
        %get3A_102 = arith.constant 0 : index
        %get3A_103 = vector.load %arg6[%get3A_101, %get3A_102] : memref<1x1xf32, #tpu.memory_space<vmem>>, vector<1x1xf32>
        %mul3A_104 = arith.constant 3.200000e+01 : f32
        %mul3A_105 = arith.mulf %mul3A_100, %mul3A_104 : f32
        %div3A = vector.broadcast %mul3A_105 : f32 to vector<1x1xf32>
        %div3A_106 = arith.divf %get3A_103, %div3A : vector<1x1xf32>
        %swap3A_107 = arith.constant 0 : index
        %swap3A_108 = arith.constant 0 : index
        %swap3A_109 = vector.load %arg6[%swap3A_107, %swap3A_108] : memref<1x1xf32, #tpu.memory_space<vmem>>, vector<1x1xf32>
        tpu.vector_store %arg6[%swap3A_107, %swap3A_108], %div3A_106 {strides = array<i32>} : memref<1x1xf32, #tpu.memory_space<vmem>>, vector<1x1xf32>,
      } else {
      }
    } else {
    }
    return
  }
  func.func @transform_0(%arg0: i32, %arg1: i32) -> (i32, i32) {
    %c0_i32 = arith.constant 0 : i32
    %c0_i32_0 = arith.constant 0 : i32
    return %c0_i32, %arg0 : i32, i32
  }
  func.func @transform_1(%arg0: i32, %arg1: i32) -> (i32, i32) {
    %c0_i32 = arith.constant 0 : i32
    %c0_i32_0 = arith.constant 0 : i32
    %c0_i32_1 = arith.constant 0 : i32
    return %c0_i32, %c0_i32_0 : i32, i32
  }
  func.func @transform_2(%arg0: i32, %arg1: i32) -> (i32, i32) {
    %c0_i32 = arith.constant 0 : i32
    %c0_i32_0 = arith.constant 0 : i32
    %c0_i32_1 = arith.constant 0 : i32
    return %c0_i32, %c0_i32_0 : i32, i32
  }
  func.func @transform_3(%arg0: i32, %arg1: i32) -> (i32, i32, i32) {
    %c0_i32 = arith.constant 0 : i32
    %c0_i32_0 = arith.constant 0 : i32
    %c0_i32_1 = arith.constant 0 : i32
    return %arg0, %c0_i32, %c0_i32_0 : i32, i32, i32
  }
  func.func @transform_4(%arg0: i32, %arg1: i32) -> (i32, i32) {
    %c0_i32 = arith.constant 0 : i32
    %c0_i32_0 = arith.constant 0 : i32
    %c0_i32_1 = arith.constant 0 : i32
    return %c0_i32, %c0_i32_0 : i32, i32
  }
  func.func @transform_5(%arg0: i32, %arg1: i32) -> (i32, i32) {
    %c0_i32 = arith.constant 0 : i32
    %c0_i32_0 = arith.constant 0 : i32
    %c0_i32_1 = arith.constant 0 : i32
    return %c0_i32, %c0_i32_0 : i32, i32
  }
}

module attributes {stable_mosaic.version = 14 : i64} {
  func.func @_perp_kernel(%arg0: memref<2x8192xf32, #tpu.memory_space<vmem>>, %arg1: memref<1x1xf32, #tpu.memory_space<vmem>>) attributes {dimension_semantics = [], scalar_prefetch = 0 : i64, scratch_operands = 0 : i64, tpu.core_type = #tpu.core_type<tc>} {
    %get3A = arith.constant 0 : index
    %get3A_0 = arith.constant 0 : index
    %get3A_1 = vector.load %arg0[%get3A, %get3A_0] : memref<2x8192xf32, #tpu.memory_space<vmem>>, vector<1x8192xf32>
    %get3A_2 = vector.shape_cast %get3A_1 : vector<1x8192xf32> to vector<8192xf32>
    %get3A_3 = arith.constant 1 : index
    %get3A_4 = arith.constant 0 : index
    %get3A_5 = vector.load %arg0[%get3A_3, %get3A_4] : memref<2x8192xf32, #tpu.memory_space<vmem>>, vector<1x8192xf32>
    %get3A_6 = vector.shape_cast %get3A_5 : vector<1x8192xf32> to vector<8192xf32>
    %add3A = arith.addf %get3A_2, %get3A_6 : vector<8192xf32>
    %div3A = arith.constant 8.192000e+03 : f32
    %div3A_7 = vector.broadcast %div3A : f32 to vector<8192xf32>
    %div3A_8 = arith.divf %add3A, %div3A_7 : vector<8192xf32>
    %add3A_9 = arith.constant 1.000000e-10 : f32
    %add3A_10 = vector.broadcast %add3A_9 : f32 to vector<8192xf32>
    %add3A_11 = arith.addf %div3A_8, %add3A_10 : vector<8192xf32>
    %log3A = math.log %add3A_11 : vector<8192xf32>
    %mul3A = arith.mulf %div3A_8, %log3A : vector<8192xf32>
    %reduce_sum3A = vector.shape_cast %mul3A : vector<8192xf32> to vector<1x8192xf32>
    %reduce_sum3A_12 = arith.constant dense<0.000000e+00> : vector<1xf32>
    %reduce_sum3A_13 = vector.multi_reduction <add>, %reduce_sum3A, %reduce_sum3A_12 [1] : vector<1x8192xf32> to vector<1xf32>
    %reduce_sum3A_14 = vector.shape_cast %reduce_sum3A_13 : vector<1xf32> to vector<1x1xf32>
    %reduce_sum3A_15 = vector.extract %reduce_sum3A_14[0, 0] : f32 from vector<1x1xf32>
    %neg3A = arith.constant 0.000000e+00 : f32
    %neg3A_16 = arith.subf %neg3A, %reduce_sum3A_15 : f32
    %exp3A = math.exp %neg3A_16 : f32
    %reshape3A = vector.broadcast %exp3A : f32 to vector<1x1xf32>
    %swap3A = arith.constant 0 : index
    %swap3A_17 = arith.constant 0 : index
    %swap3A_18 = vector.load %arg1[%swap3A, %swap3A_17] : memref<1x1xf32, #tpu.memory_space<vmem>>, vector<1x1xf32>
    tpu.vector_store %arg1[%swap3A, %swap3A_17], %reshape3A {strides = array<i32>} : memref<1x1xf32, #tpu.memory_space<vmem>>, vector<1x1xf32>,
    return
  }
}

</mosaic_0001>

<sc_bundles>
// kernel: kernel.5.cloned.1.call-start
scs
__scs_entry_jumppad:
0x0: {  	(pc) =	sbr.rel $0x88, $3  }
0x1: {  	(tag) =	ssettag $0x0;
	lr =	simm.s32 $0x1  }
0x2: {  	[smem:$0x3F9E] =	sst lr;
	_ =	strace $0xD0000000  }
0x3: {  	_ = 	snop  }
0x4: {  	_ = 	snop  }
0x5: {  	_ = 	snop  }
0x6: {  	_ = 	snop  }
0x7: {  	_ = 	snop  }
__scs_overlays_trampoline_lowered:
0x8: {  	[smem:$0x3FAD] =	sst s0  }
0x9: {  	[smem:$0x3FAE] =	sst s1  }
0xa: {  	[smem:$0x3FAF] =	sst s2  }
0xb: {  	[smem:$0x3FB0] =	sst s3  }
0xc: {  	[smem:$0x3FB1] =	sst s4  }
0xd: {  	[smem:$0x3FB2] =	sst s5  }
0xe: {  	[smem:$0x3FB3] =	sst s6  }
0xf: {  	[smem:$0x3FB4] =	sst s7  }
0x10: {  	[smem:$0x3FB5] =	sst s8  }
0x11: {  	[smem:$0x3FB6] =	sst s9;
	s0 =	simm.s32 @!p0 $0x0  }
0x12: {  	s1 =	sld [smem:$0x3F9C];
	s0 =	simm.s32 @p0 $0x1  }
0x13: {  	[smem:$0x3FB7] =	sst s0;
	s0 =	simm.s32 @!p1 $0x0  }
0x14: {  	s2 =	sld [smem:$0x3F9B];
	s0 =	simm.s32 @p1 $0x1  }
0x15: {  	[smem:$0x3FB8] =	sst s0;
	s0 =	simm.s32 @!p2 $0x0  }
0x16: {  	s3 =	sld [smem:$0x3FDB];
	s0 =	simm.s32 @p2 $0x1  }
0x17: {  	s4 =	simm.s32 $0x1BF5;
	[smem:$0x3FBA] =	sst s0  }
0x18: {  	s0 =	sld [smem:$0x3F9D];
	_ =	swait.ge [sflag:s4], $0x0  }
0x19: {  	s7 =	sld [smem:$0x3F9E]  }
0x1a: {  	s8 =	sadd.s32 $0xFFFFE003, lr  }
0x1b: {  	s9 =	sadd.s32 $0xFFFFFEF7, lr;
	s5 =	simm.s32 $0xFFFFFFFF;
	p2 =	slt.u32 s8, $0xFFFFF086  }
0x1c: {  	p1 =	slt.u32 s9, $0xF7A;
	s5 =	simm.s32 @!p2 $0x0  }
0x1d: {  	s5 =	simm.s32 @p1 $0x1;
	p0 =	seq.s32 s7, s2  }
0x1e: {  	s7 =	smul.u32 @!p0 $0xF7A, s2;
	p2 =	seq.s32 @!p0 s5, $0x0  }
0x1f: {  	s9 =	smul.u32 $0xF7A, s1;
	s8 =	simm.s32 @!p0 $0x1BF5;
	p2 =	por !p2, p0  }
0x20: {  	[sflag:s8] =	ssyncset.s32 @!p0 $0xFFFFF086;
	s6 =	sadd.s32 @!p0 s3, s7;
	s7 =	simm.s32 @!p0 $0x108  }
0x21: {  	s3 =	sadd.s32 s3, s9;
	s6 =	sadd.s32 @!p0 $0x88, s6;
	s7 =	simm.s32 @p2 $0x1082  }
0x22: {  	[simem:s7], [sflag:s8] =	dma.local @!p0 [hbm:s6], $0xF7A  }
0x23: {  	s9 =	sor.u32 $0xD0000000, s2;
	s6 =	simm.s32 $0x108;
	_ =	swait.ge @!p0 [sflag:s8], $0x0  }
0x24: {  	s3 =	sadd.s32 $0x88, s3;
	s6 =	simm.s32 @!p1 $0x1082;
	[sflag:s4] =	ssyncset.s32 $0xFFFFF086  }
0x25: {  	[simem:s6], [sflag:s4] =	dma.local [hbm:s3], $0xF7A  }
0x26: {  	[smem:$0x3F9E] =	sst s1;
	(tag) =	ssettag s2;
	_ =	strace s9  }
0x27: {  	s1 =	sld [smem:$0x3FAE]  }
0x28: {  	s2 =	sld [smem:$0x3FAF]  }
0x29: {  	s4 =	sld [smem:$0x3FB1]  }
0x2a: {  	p0 =	seq.s32 s5, $0x0;
	s5 =	sld [smem:$0x3FB2]  }
0x2b: {  	s6 =	sld [smem:$0x3FB3]  }
0x2c: {  	s7 =	sld [smem:$0x3FB4]  }
0x2d: {  	s3 =	simm.s32 $0x108;
	s8 =	sld [smem:$0x3FB5]  }
0x2e: {  	s3 =	simm.s32 @!p0 $0x1082;
	s9 =	sld [smem:$0x3FB6]  }
0x2f: {  	lr =	sadd.s32 s0, s3;
	s0 =	sld [smem:$0x3FAD]  }
0x30: {  	s3 =	sld [smem:$0x3FB0]  }
0x31: {  	[smem:$0x3FB9] =	sst s10  }
0x32: {  	s10 =	sld [smem:$0x3FB7];
	_ =	sdelay $0x3  }
0x33: {  	p0 =	seq.s32 s10, $0x1;
	s10 =	sld [smem:$0x3FB9];
	_ =	sdelay $0x3  }
0x34: {  	[smem:$0x3FB9] =	sst s10  }
0x35: {  	s10 =	sld [smem:$0x3FB8];
	_ =	sdelay $0x3  }
0x36: {  	p1 =	seq.s32 s10, $0x1;
	s10 =	sld [smem:$0x3FB9];
	_ =	sdelay $0x3  }
0x37: {  	[smem:$0x3FB9] =	sst s10  }
0x38: {  	s10 =	sld [smem:$0x3FBA]  }
0x39: {  	_ = 	snop;
	(pc) =	sbr.ind lr, $3  }
0x3a: {  	_ = 	snop  }
0x3b: {  	_ = 	snop  }
0x3c: {  	p2 =	seq.s32 s10, $0x1;
	s10 =	sld [smem:$0x3FB9]  }
0x3d: {  	_ =	shalt  }
0x3e: {  	_ =	shalt  }
0x3f: {  	_ =	shalt  }
0x40: {  	_ =	shalt  }
0x41: {  	_ =	shalt  }
0x42: {  	_ =	shalt  }
0x43: {  	_ =	shalt  }
0x44: {  	_ =	shalt  }
0x45: {  	_ =	shalt  }
0x46: {  	_ =	shalt  }
0x47: {  	_ =	shalt  }
0x48: {  	_ =	shalt  }
0x49: {  	_ =	shalt  }
0x4a: {  	_ =	shalt  }
0x4b: {  	_ =	shalt  }
0x4c: {  	_ =	shalt  }
0x4d: {  	_ =	shalt  }
0x4e: {  	_ =	shalt  }
0x4f: {  	_ =	shalt  }
0x50: {  	_ =	shalt  }
0x51: {  	_ =	shalt  }
0x52: {  	_ =	shalt  }
0x53: {  	_ =	shalt  }
0x54: {  	_ =	shalt  }
0x55: {  	_ =	shalt  }
0x56: {  	_ =	shalt  }
0x57: {  	_ =	shalt  }
0x58: {  	_ =	shalt  }
0x59: {  	_ =	shalt  }
0x5a: {  	_ =	shalt  }
0x5b: {  	_ =	shalt  }
0x5c: {  	_ =	shalt  }
0x5d: {  	_ =	shalt  }
0x5e: {  	_ =	shalt  }
0x5f: {  	_ =	shalt  }
0x60: {  	_ =	shalt  }
0x61: {  	_ =	shalt  }
0x62: {  	_ =	shalt  }
0x63: {  	_ =	shalt  }
0x64: {  	_ =	shalt  }
0x65: {  	_ =	shalt  }
0x66: {  	_ =	shalt  }
0x67: {  	_ =	shalt  }
0x68: {  	_ =	shalt  }
0x69: {  	_ =	shalt  }
0x6a: {  	_ =	shalt  }
0x6b: {  	_ =	shalt  }
0x6c: {  	_ =	shalt  }
0x6d: {  	_ =	shalt  }
0x6e: {  	_ =	shalt  }
0x6f: {  	_ =	shalt  }
0x70: {  	_ =	shalt  }
0x71: {  	_ =	shalt  }
0x72: {  	_ =	shalt  }
0x73: {  	_ =	shalt  }
0x74: {  	_ =	shalt  }
0x75: {  	_ =	shalt  }
0x76: {  	_ =	shalt  }
0x77: {  	_ =	shalt  }
0x78: {  	_ =	shalt  }
0x79: {  	_ =	shalt  }
0x7a: {  	_ =	shalt  }
0x7b: {  	_ =	shalt  }
0x7c: {  	_ =	shalt  }
0x7d: {  	_ =	shalt  }
0x7e: {  	_ =	shalt  }
0x7f: {  	_ =	shalt  }
0x80: {  	_ =	shalt  }
0x81: {  	_ =	shalt  }
0x82: {  	_ =	shalt  }
0x83: {  	_ =	shalt  }
0x84: {  	_ =	shalt  }
0x85: {  	_ =	shalt  }
0x86: {  	_ =	shalt  }
0x87: {  	_ =	shalt  }
.Lfunc_end0:
.L_simem_size_0:
called_computation_lowered:
.L_overlay_start_0:
0x88: {  	s2 =	sld [smem:$0x3FD9]  }
0x89: {  	s3 =	sld [smem:$0x3FFE];
	_ =	sdelay $0x1  }
0x8a: {  	s1 =	srdreg.scid  }
0x8b: {  	s0 =	sand.u32 $0x1, s1  }
0x8c: {  	s14 =	sshll.u32 s0, $0xA;
	s2 =	sadd.s32 s3, s2  }
0x8d: {  	s2 =	sadd.s32 s2, s14  }
0x8e: {  	[smem:$0x3FC5] =	sst s2  }
0x8f: {  	_ = 	snop  }
0x90: {  	s2 =	sld [smem:$0x3FD0];
	_ =	sdelay $0x2  }
0x91: {  	s15 =	simm.s32 $0xA;
	s4 =	simm.s32 $0x10  }
0x92: {  	[smem:s4], [sflag:s15] =	dma.local [hbm:s2], $0x1  }
0x93: {  	_ =	swait.eq [sflag:s15], $0x1  }
0x94: {  	[sflag:s15] =	ssyncset.done $0x0  }
0x95: {  	s16 =	sld [smem:$0x10];
	[sflag:s15] =	ssyncadd.s32 $0xFFFFFFFF  }
0x96: {  	s17 =	sld [smem:$0x13];
	(tm) =	ssettm $0x1  }
0x97: {  	s18 =	sld [smem:$0x3FFB];
	_ =	sdelay $0x3  }
0x98: {  	_ =	strace s18  }
0x99: {  	s4 =	sld [smem:$0x3FFC];
	_ =	sdelay $0x3  }
0x9a: {  	_ =	strace s4  }
0x9b: {  	s4 =	sld [smem:$0x3FFD];
	_ =	sdelay $0x3  }
0x9c: {  	_ =	strace s4  }
0x9d: {  	_ =	strace $0x8FFFFFFF  }
0x9e: {  	s19 =	sld [smem:$0x3FDB];
	_ =	sdelay $0x1  }
0x9f: {  	s5 =	simm.s32 $_scs_section_size  }
0xa0: {  	s6 =	simm.s32 $_size__tile_overlayer_lowered;
	s7 =	simm.s32 $_tile_overlayer_lowered  }
0xa1: {  	s22 =	simm.s32 $0x1BFF;
	s21 =	sshll.u32 s7, $0x1;
	s4 =	sadd.s32 s5, s19  }
0xa2: {  	s8 =	simm.s32 $0x0;
	s20 =	sshll.u32 s6, $0x1;
	s6 =	sadd.s32 s21, s4  }
0xa3: {  	[timem:s8], [sflag:s22] =	dma.local [hbm:s6], s20  }
0xa4: {  	_ =	swait.ge [sflag:s22], s20  }
0xa5: {  	s5 =	ssub.s32 $0x0, s20;
	[sflag:s22] =	ssyncset.done $0x0  }
0xa6: {  	[sflag:s22] =	ssyncadd.s32 s5;
	_ =	sdelay $0x1  }
0xa7: {  	s23 =	simm.s32 $0x1B8B  }
0xa8: {  	_ =	swait.ge [sflag:s23], $0x1  }
0xa9: {  	[sflag:s23] =	ssyncset.done $0x0  }
0xaa: {  	s25 =	simm.s32 $0x1B8E;
	s24 =	sld [smem:$0x3FFE];
	[sflag:s23] =	ssyncadd.s32 $0xFFFFFFFF  }
0xab: {  	s26 =	simm.s32 $execute0_lowered;
	[smem:$0x3FD2] =	sst s25  }
0xac: {  	s6 =	sshll.u32 s26, $0x1;
	_ =	strace $0x80000046;
	[dreg:$0x1] =	wrdreg $0xFFFFFFFF  }
0xad: {  	s28 =	simm.s32 $_size_execute0_lowered;
	s4 =	sadd.s32 s4, s6;
	[dreg:$0x0] =	wrdreg $0x0  }
0xae: {  	s6 =	sshll.u32 s28, $0x1;
	[dreg:$0x2] =	wrdreg s4  }
0xaf: {  	[dreg:$0x3] =	wrdreg s6  }
0xb0: {  	[dreg:$0x4] =	wrdreg $0xC0  }
0xb1: {  	_ =	task [dreg:s8], $0x5FFFF  }
0xb2: {  	[dreg:$0x1] =	wrdreg $0xFFFFFFFF  }
0xb3: {  	[dreg:$0x0] =	wrdreg $0x60  }
0xb4: {  	[dreg:$0x2] =	wrdreg s16  }
0xb5: {  	[dreg:$0x3] =	wrdreg s24  }
0xb6: {  	[dreg:$0x4] =	wrdreg s17  }
0xb7: {  	[dreg:$0x5] =	wrdreg $0x81800  }
0xb8: {  	[dreg:$0x6] =	wrdreg $0x9  }
0xb9: {  	_ =	task.clear_ibuf [dreg:s8], $0x7FFFF;
	_ =	strace $0x90000046  }
0xba: {  	s29 =	simm.s32 $0x9;
	_ =	strace $0x80000048  }
0xbb: {  	_ =	swait.ge [sflag:s29], $0x1  }
0xbc: {  	[sflag:s29] =	ssyncadd.s32 $0xFFFFFFFF  }
0xbd: {  	_ =	strace $0x90000048  }
0xbe: {  	_ =	sfence  }
0xbf: {  	s30 =	sld [smem:$0x0];
	_ =	sdelay $0x2  }
0xc0: {  	s31 =	sshll.u32 s1, $0xD;
	s1 =	sshrl.u32 s1, $0x2  }
0xc1: {  	s3 =	sand.u32 $0x4000, s31;
	s1 =	sadd.s32 s1, s30  }
0xc2: {  	s0 =	sor.u32 s3, s0;
	s1 =	sshll.u32 s1, $0x11  }
0xc3: {  	s0 =	sor.u32 s1, s0  }
0xc4: {  	s0 =	sadd.s32 $0x8F2B, s0  }
0xc5: {  	[sflag:s0] =	ssyncadd.remote.s32 $0x1  }
0xc6: {  	_ =	sfence.sel $0xFFFF  }
0xc7: {  	[dreg:$0x0] =	wrdreg $0xFFFFFFFF;
	(pc) =	sbr.abs _section_cstart, $3  }
0xc8: {  	[dreg:$0x1] =	wrdreg $0xFFFFFFFF  }
0xc9: {  	_ =	task.clear_ibuf [dreg:s8], $0x2FFFF;
	_ =	strace $0x9FFFFFFF  }
0xca: {  	(tm) =	ssettm $0x7FFFFFFF  }
0xcb: {  	_ =	shalt  }
tec
execute0_lowered:
.L_overlay_start_1:
0x0: {  	(tag) =	ssettag $0x1  }
0x1: {  	s0 =	rddreg [dreg:$0x0];
	s1 =	srdreg.scid  }
0x2: {  	s17 =	rddreg [dreg:$0x1];
	s8 =	stileid.u32;
	s18 =	sand.u32 $0x1, s1  }
0x3: {  	s2 =	rddreg [dreg:$0x2];
	s4 =	sshll.u32 s8, $0x1;
	s1 =	sshll.u32 s18, $0x5  }
0x4: {  	s3 =	rddreg [dreg:$0x3];
	s5 =	sshll.u32 s8, $0x5;
	s16 =	sor.u32 s4, s1  }
0x5: {  	s5 =	sand.u32 $0x60, s5;
	s1 =	rddreg [dreg:$0x4];
	s6 =	sshll.u32 s16, $0x4  }
0x6: {  	s4 =	simm.s32 $0x0;
	s5 =	sadd.s32 s5, s17;
	s6 =	sand.u32 $0x380, s6  }
0x7: {  	[smem:$0x7FF] =	sst s4;
	s5 =	sadd.s32 s6, s5  }
0x8: {  	_ =	strace $0x80000047;
	s6 =	simm.s32 $0x2;
	s5 =	sadd.s32 $0x1000, s5  }
0x9: {  	[tilespmem:s4], [sflag:$0x2] =	stream.linear.gather [hbm4b:s5+s4], $0x100, $0x38;
	[tilespmem:$0x8380] =	vst v63  }
0xa: {  	s9 =	simm.s32 $0x100;
	_ =	swait.ge [sflag:s6], $0x100  }
0xb: {  	s10 =	simm.s32 $0x4100;
	s7 =	sadd.s32 $0x1400, s17;
	[sflag:s6] =	ssyncset.done $0x0  }
0xc: {  	p0 =	sne.s32 s8, $0x0;
	s8 =	simm.s32 $0x80;
	[sflag:s6] =	ssyncadd.s32 $0xFFFFFF00  }
0xd: {  	[tilespmem:s9], [sflag:$0x1] =	stream.indirect.gather [hbm4b:s0+s8], $0x80, s4, s8, $0xb8;
	[tilespmem:$0x8380] =	vst v63  }
0xe: {  	s12 =	sshrl.u32 @!p0 s3, $0x3;
	s13 =	simm.s32 @!p0 $0x1C02;
	s11 =	simm.s32 @!p0 $0x2  }
0xf: {  	[tilespmem:s10], [sflag:$0x1] =	stream.indirect.gather [hbm4b:s0+s8], $0x80, s8, s8, $0xb8;
	[tilespmem:$0x8380] =	vst v63  }
0x10: {  	[spmem:s12], [sflag:s13] =	dma.local @!p0 [hbm:s7], $0x400  }
0x11: {  	_ =	swait.ge @!p0 [sflag:s11], $0x400  }
0x12: {  	[sflag:s11] =	ssyncset.done @!p0 $0x0  }
0x13: {  	s14 =	simm.s32 $0x8100;
	[sflag:s11] =	ssyncadd.s32 @!p0 $0xFFFFFC00  }
0x14: {  	[tilespmem:s14], [sflag:$0x2] =	stream.linear.gather [hbm4b:s2+s4], $0x80, $0x38;
	[tilespmem:$0x8380] =	vst v63  }
0x15: {  	_ =	swait.ge [sflag:s6], $0x80  }
0x16: {  	[sflag:s6] =	ssyncset.done $0x0  }
0x17: {  	s15 =	simm.s32 $0x1;
	[sflag:s6] =	ssyncadd.s32 $0xFFFFFF80  }
0x18: {  	_ =	swait.ge [sflag:s15], $0x4000  }
0x19: {  	[sflag:s15] =	ssyncset.done $0x0  }
0x1a: {  	[sflag:s15] =	ssyncadd.s32 $0xFFFFC000  }
0x1b: {  	s16 =	sshll.u32 s16, $0xB;
	_ =	swait.ge [sflag:s15], $0x4000  }
0x1c: {  	s16 =	sadd.s32 s16, s17;
	[sflag:s15] =	ssyncset.done $0x0  }
0x1d: {  	s16 =	sadd.s32 $0x1800, s16;
	[sflag:s15] =	ssyncadd.s32 $0xFFFFC000  }
0x1e: {  	[hbm4b:s16+s4] =	stream.linear.scatter [tilespmem:s9], [sflag:$0x2], $0x8000, $0x38;
	[tilespmem:$0x8380] =	vst v63  }
0x1f: {  	_ =	swait.ge [sflag:s6], $0x8000  }
0x20: {  	[sflag:s6] =	ssyncset.done $0x0  }
0x21: {  	[sflag:s6] =	ssyncadd.s32 $0xFFFF8000  }
0x22: {  	s19 =	ssub.s32 $0x2, s18;
	[bflag:$0x0] =	sbarrier.arrive $0xFFFF  }
0x23: {  	[spmem:s3] =	stream.indirect.scatter.add.f32 [tilespmem:s14], [sflag:$0x2], $0x1, s4, s8, $0xb8;
	[tilespmem:$0x8380] =	vst v63  }
0x24: {  	s20 =	sshrl.u32 s19, $0x1;
	_ =	swait.ge [sflag:s6], $0x80  }
0x25: {  	s18 =	sshll.u32 s18, $0x4;
	s31 =	ssub.s32 s19, s20;
	[sflag:s6] =	ssyncset.done $0x0  }
0x26: {  	s17 =	sadd.s32 s18, s17;
	s18 =	smax.u32 s31, $0x1;
	[sflag:s6] =	ssyncadd.s32 $0xFFFFFF80  }
0x27: {  	[spmem:s3] =	stream.indirect.scatter.add.f32 [tilespmem:s14], [sflag:$0x2], $0x1, s8, s8, $0xb8;
	[tilespmem:$0x8380] =	vst v63  }
0x28: {  	s18 =	sadd.s32 $0xFFFFFFFF, s18;
	_ =	swait.ge [sflag:s6], $0x80  }
0x29: {  	s21 =	simm.s32 @!p0 $0x20;
	p1 =	sne.s32 s18, $0x0;
	[sflag:s6] =	ssyncset.done $0x0  }
.Ltmp0:
0x2a: {  	s19 =	simm.s32 @!p0 $0x10;
	[sflag:s6] =	ssyncadd.s32 $0xFFFFFF80;
	(pc) =	sbr.rel @!p1 .LBB2_2-.Ltmp0, $4  }
0x2b: {  	s20 =	simm.s32 @!p0 $0x1;
	s17 =	sadd.s32 $0x21800, s17;
	[bflag:$0x0] =	sbarrier.arrive $0xFFFF  }
0x2c: {  	[hbm:s17@s21], [sflag:s13] =	dma.strided @!p0 [spmem:s12@s19], $0x400, s20, $0x10   }
0x2d: {  	_ =	swait.ge @!p0 [sflag:s11], $0x400  }
0x2e: {  	[sflag:s11] =	ssyncset.done @!p0 $0x0  }
.LBB2_1:
0x2f: {  	s18 =	sadd.s32 $0xFFFFFFFF, s18;
	[sflag:s11] =	ssyncadd.s32 @!p0 $0xFFFFFC00  }
0x30: {  	[tilespmem:s4], [sflag:$0x2] =	stream.linear.gather [hbm4b:s5+s4], $0x100, $0x38;
	[tilespmem:$0x8380] =	vst v63  }
0x31: {  	p1 =	sne.s32 s18, $0x0;
	_ =	swait.ge [sflag:s6], $0x100  }
0x32: {  	[sflag:s6] =	ssyncset.done $0x0  }
0x33: {  	[sflag:s6] =	ssyncadd.s32 $0xFFFFFF00  }
0x34: {  	[tilespmem:s9], [sflag:$0x1] =	stream.indirect.gather [hbm4b:s0+s8], $0x80, s4, s8, $0xb8;
	[tilespmem:$0x8380] =	vst v63  }
0x35: {  	_ = 	snop  }
0x36: {  	[tilespmem:s10], [sflag:$0x1] =	stream.indirect.gather [hbm4b:s0+s8], $0x80, s8, s8, $0xb8;
	[tilespmem:$0x8380] =	vst v63  }
0x37: {  	[spmem:s12], [sflag:s13] =	dma.local @!p0 [hbm:s7], $0x400  }
0x38: {  	_ =	swait.ge @!p0 [sflag:s11], $0x400  }
0x39: {  	[sflag:s11] =	ssyncset.done @!p0 $0x0  }
0x3a: {  	[sflag:s11] =	ssyncadd.s32 @!p0 $0xFFFFFC00  }
0x3b: {  	[tilespmem:s14], [sflag:$0x2] =	stream.linear.gather [hbm4b:s2+s4], $0x80, $0x38;
	[tilespmem:$0x8380] =	vst v63  }
0x3c: {  	_ =	swait.ge [sflag:s6], $0x80  }
0x3d: {  	[sflag:s6] =	ssyncset.done $0x0  }
0x3e: {  	[sflag:s6] =	ssyncadd.s32 $0xFFFFFF80  }
0x3f: {  	_ =	swait.ge [sflag:s15], $0x4000  }
0x40: {  	[sflag:s15] =	ssyncset.done $0x0  }
0x41: {  	[sflag:s15] =	ssyncadd.s32 $0xFFFFC000  }
0x42: {  	_ =	swait.ge [sflag:s15], $0x4000  }
0x43: {  	[sflag:s15] =	ssyncset.done $0x0  }
0x44: {  	[sflag:s15] =	ssyncadd.s32 $0xFFFFC000  }
0x45: {  	[hbm4b:s16+s4] =	stream.linear.scatter [tilespmem:s9], [sflag:$0x2], $0x8000, $0x38;
	[tilespmem:$0x8380] =	vst v63  }
0x46: {  	_ =	swait.ge [sflag:s6], $0x8000  }
0x47: {  	[sflag:s6] =	ssyncset.done $0x0  }
0x48: {  	[sflag:s6] =	ssyncadd.s32 $0xFFFF8000  }
0x49: {  	[bflag:$0x0] =	sbarrier.arrive $0xFFFF  }
0x4a: {  	[spmem:s3] =	stream.indirect.scatter.add.f32 [tilespmem:s14], [sflag:$0x2], $0x1, s4, s8, $0xb8;
	[tilespmem:$0x8380] =	vst v63  }
0x4b: {  	_ =	swait.ge [sflag:s6], $0x80  }
0x4c: {  	[sflag:s6] =	ssyncset.done $0x0  }
0x4d: {  	[sflag:s6] =	ssyncadd.s32 $0xFFFFFF80  }
0x4e: {  	[spmem:s3] =	stream.indirect.scatter.add.f32 [tilespmem:s14], [sflag:$0x2], $0x1, s8, s8, $0xb8;
	[tilespmem:$0x8380] =	vst v63  }
0x4f: {  	_ =	swait.ge [sflag:s6], $0x80  }
0x50: {  	[sflag:s6] =	ssyncset.done $0x0  }
.Ltmp1:
0x51: {  	[sflag:s6] =	ssyncadd.s32 $0xFFFFFF80;
	(pc) =	sbr.rel @p1 .LBB2_1-.Ltmp1, $4  }
0x52: {  	[bflag:$0x0] =	sbarrier.arrive $0xFFFF  }
0x53: {  	[hbm:s17@s21], [sflag:s13] =	dma.strided @!p0 [spmem:s12@s19], $0x400, s20, $0x10   }
0x54: {  	_ =	swait.ge @!p0 [sflag:s11], $0x400  }
0x55: {  	[sflag:s11] =	ssyncset.done @!p0 $0x0  }
.LBB2_2:
0x56: {  	[sflag:s11] =	ssyncadd.s32 @!p0 $0xFFFFFC00  }
0x57: {  	_ =	sfence.sel $0x180000  }
0x58: {  	[bflag:$0x0] =	sbarrier.arrive $0xFFFF  }
0x59: {  	_ =	strace $0x90000047  }
0x5a: {  	s0 =	sadd.s32 @!p0 $0x100000, s1;
	[bflag:$0x2] =	sbarrier.arrive $0xFFFF  }
0x5b: {  	[sflag:s0] =	ssyncadd.tile.s32 @!p0 $0x1;
	_ =	shalt  }
.Lfunc_end2:
_tile_overlayer_lowered:
.L_overlay_start_2:
0x5c: {  	(tag) =	ssettag $0x2  }
0x5d: {  	s0 =	rddreg [dreg:$0x0];
	s2 =	stileid.u32  }
0x5e: {  	s1 =	rddreg [dreg:$0x1];
	p0 =	sne.s32 s2, $0x0  }
0x5f: {  	s3 =	rddreg [dreg:$0x2];
	[bflag:$0x3] =	sbarrier.arrive $0xFFFF;
	s2 =	simm.s32 @!p0 $0x1C02  }
0x60: {  	[timem:s3], [sflag:s2] =	dma.local @!p0 [hbm:s0], s1  }
0x61: {  	s0 =	simm.s32 @!p0 $0x2  }
0x62: {  	_ =	swait.ge @!p0 [sflag:s0], s1  }
0x63: {  	s1 =	ssub.s32 @!p0 $0x0, s1;
	[sflag:s0] =	ssyncset.done @!p0 $0x0  }
0x64: {  	[sflag:s0] =	ssyncadd.s32 @!p0 s1  }
0x65: {  	[bflag:$0x3] =	sbarrier.arrive $0xFFFF  }
0x66: {  	_ =	shalt  }

</sc_bundles>
